<compile_context>
chip_gen: v7x
topology: tpu7x:2x2x1
jax: 0.10.2.dev20260603
libtpu: 0.0.44.dev20260713+nightly
codegen_flags: <defaults>
</compile_context>

<pallas_src>
import functools

import jax
import jax.numpy as jnp
from jax import lax
from jax.experimental import pallas as pl
from jax.experimental.pallas import tpu as pltpu
from jax.experimental.pallas import tpu_sc as plsc

_N = 8192
_D = 256
_K = 512
_TB = 2048
_NBLK = _N // _TB

_NC = 2
_NS = 16
_NW = _NC * _NS
_BPW = _N // _NW
_CHUNK = 128
_CPW = _BPW // _CHUNK


def _argmin_body(x_ref, cb_ref, idx_ref, msum_ref):
    i = pl.program_id(0)
    x = x_ref[...]
    cb = cb_ref[...]
    x_sq = jnp.sum(x * x, axis=1, keepdims=True)
    x_sq_row = jnp.transpose(jnp.broadcast_to(x_sq, (_TB, 128)))[0:1, :]
    c_sq = jnp.sum(cb * cb, axis=1, keepdims=True)
    cross = lax.dot_general(
        cb, x, (((1,), (1,)), ((), ())),
        preferred_element_type=jnp.float32)
    dist_sq = jnp.maximum(x_sq_row + c_sq - 2.0 * cross, 0.0)
    dists = jnp.sqrt(dist_sq)
    minval = jnp.min(dists, axis=0, keepdims=True)
    row = lax.broadcasted_iota(jnp.int32, (_K, _TB), 0)
    idx = jnp.min(jnp.where(dists == minval, row, _K), axis=0)
    idx_ref[...] = idx.reshape(_TB // _CHUNK, _CHUNK)
    minsq = minval[0] * minval[0]

    @pl.when(i == 0)
    def _init():
        msum_ref[0, 0, :] = minsq

    @pl.when(i > 0)
    def _acc():
        msum_ref[0, 0, :] = msum_ref[0, 0, :] + minsq


def _tc_argmin(x2d, codebook):
    return pl.pallas_call(
        _argmin_body,
        grid=(_NBLK,),
        in_specs=[
            pl.BlockSpec((_TB, _D), lambda i: (i, 0)),
            pl.BlockSpec((_K, _D), lambda i: (0, 0)),
        ],
        out_specs=[
            pl.BlockSpec((_TB // _CHUNK, _CHUNK), lambda i: (i, 0)),
            pl.BlockSpec((1, 1, _TB), lambda i: (0, 0, 0)),
        ],
        out_shape=[
            jax.ShapeDtypeStruct((_N // _CHUNK, _CHUNK), jnp.int32),
            jax.ShapeDtypeStruct((1, 1, _TB), jnp.float32),
        ],
    )(x2d, codebook)


def _sc_gather(codebook, idx2d):
    mesh = plsc.VectorSubcoreMesh(
        core_axis_name="c", subcore_axis_name="s",
        num_cores=_NC, num_subcores=_NS)
    wpb = _TB // _BPW

    @functools.partial(
        pl.kernel,
        out_type=jax.ShapeDtypeStruct((_N, _D), jnp.float32),
        mesh=mesh,
        scratch_types=[
            pltpu.VMEM((_CPW, _CHUNK), jnp.int32),
            pltpu.VMEM((_BPW, _D), jnp.float32),
            pltpu.SemaphoreType.DMA,
        ],
    )
    def gather_kernel(table_hbm, idx_hbm, out_q, idx_v, rows_v, sem):
        wid = lax.axis_index("s") * _NC + lax.axis_index("c")
        pltpu.sync_copy(idx_hbm.at[pl.ds(wid * _CPW, _CPW)], idx_v)
        copies = [
            pltpu.async_copy(table_hbm.at[idx_v.at[j]],
                             rows_v.at[pl.ds(j * _CHUNK, _CHUNK)], sem)
            for j in range(_CPW)
        ]
        for c in copies:
            c.wait()
        pltpu.sync_copy(rows_v, out_q.at[pl.ds(wid * _BPW, _BPW)])

    return gather_kernel(codebook, idx2d)


def kernel(x, codebook):
    B, T, D = x.shape
    x2d = x.reshape(B * T, D)
    idx2d, msum = _tc_argmin(x2d, codebook)
    quant2d = _sc_gather(codebook, idx2d)
    quantized = quant2d.reshape(B, T, D)
    indices = idx2d.reshape(B, T)
    loss = 2.0 * jnp.sum(msum[0, 0, :]) / jnp.float32(B * T * D)
    return (quantized, indices, loss)

# --- scband reference (transcript-rebuilt; emitter-appended) ---
"""Pipeline reference for scband-quantizer-18159121727997 (READ-ONLY COPY).

The authoritative reference and input builder live on the scoring server;
editing this copy changes nothing except your own understanding.
"""

import jax, jax.numpy as jnp
import numpy as np

CODEBOOK_SIZE = 512
LATENT_DIM = 256

def setup_inputs(seed: int = 0) -> dict:
    key = jax.random.key(seed)
    k1, k2 = jax.random.split(key)
    x = jax.random.normal(k1, (256, 32, LATENT_DIM), dtype=jnp.float32)
    codebook = jax.random.uniform(k2, (CODEBOOK_SIZE, LATENT_DIM), dtype=jnp.float32, minval=-1.0 / CODEBOOK_SIZE, maxval=1.0 / CODEBOOK_SIZE)
    return {"x": x, "codebook": codebook}

def reference(x, codebook):
    # torch.cdist(x, codebook.weight): pairwise euclidean distances
    # x: [B, T, D], codebook: [K, D] -> dists: [B, T, K]
    x_sq = jnp.sum(x * x, axis=-1, keepdims=True)  # [B, T, 1]
    c_sq = jnp.sum(codebook * codebook, axis=-1)   # [K]
    cross = jnp.einsum('btd,kd->btk', x, codebook)  # [B, T, K]
    dist_sq = jnp.maximum(x_sq + c_sq[None, None, :] - 2.0 * cross, 0.0)
    dists = jnp.sqrt(dist_sq)
    indices = jnp.argmin(dists, axis=-1)  # [B, T]
    gathered = jnp.take(codebook, indices, axis=0)  # [B, T, D]
    # straight-through: quantized = x + stop_grad(gathered - x)
    quantized = x + jax.lax.stop_gradient(gathered - x)
    codebook_loss = jnp.mean(jnp.square(quantized - jax.lax.stop_gradient(x)))
    commitment_loss = jnp.mean(jnp.square(jax.lax.stop_gradient(quantized) - x))
    quantize_loss = codebook_loss + commitment_loss
    return (quantized, indices, quantize_loss)

if __name__ == "__main__":
    import jax
    _d = setup_inputs()
    print(jax.jit(kernel)(*tuple(_d.values())))

</pallas_src>

<mosaic_0001>
#map = affine_map<(d0, d1) -> (0, 0)>
module attributes {stable_mosaic.version = 14 : i64} {
  func.func @gather_kernel(%arg0: i32, %arg1: i32, %arg2: memref<512x256xf32, #tpu.memory_space<hbm>>, %arg3: memref<64x128xi32, #tpu.memory_space<hbm>>, %arg4: memref<8192x256xf32, #tpu.memory_space<hbm>>, %arg5: memref<2x128xi32, #tpu.memory_space<vmem>>, %arg6: memref<256x256xf32, #tpu.memory_space<vmem>>, %arg7: memref<!tpu.dma_semaphore, #tpu.memory_space<semaphore_mem>>) attributes {dimension_semantics = [#tpu.dimension_semantics<core_parallel>, #tpu.dimension_semantics<subcore_parallel>], iteration_bounds = array<i64: 2, 16>, scalar_prefetch = 0 : i64, scratch_operands = 3 : i64, tpu.core_type = #tpu.core_type<sc_vector_subcore>, window_params = [{transform_indices = #map}, {transform_indices = #map}, {transform_indices = #map}]} {
    %mul3A = arith.constant 2 : i32
    %mul3A_0 = arith.muli %arg1, %mul3A : i32
    %add3A = arith.addi %mul3A_0, %arg0 : i32
    %mul3A_1 = arith.constant 2 : i32
    %mul3A_2 = arith.muli %add3A, %mul3A_1 : i32
    "tpu.region"() ({
      %run_scoped3A = tpu.sem_alloc : memref<!tpu.dma_semaphore, #tpu.memory_space<semaphore_mem>>
      %dma_start3A_43 = arith.constant 0 : i32
      %dma_start3A_44 = tpu.memref_slice %arg3[%mul3A_2, %dma_start3A_43] : memref<64x128xi32, #tpu.memory_space<hbm>> -> memref<2x128xi32, #tpu.memory_space<hbm>>
      %dma_start3A_45 = arith.constant 0 : i32
      %dma_start3A_46 = tpu.memref_slice %arg3[%mul3A_2, %dma_start3A_45] : memref<64x128xi32, #tpu.memory_space<hbm>> -> memref<2x128xi32, #tpu.memory_space<hbm>>
      tpu.enqueue_dma source(%dma_start3A_46 : memref<2x128xi32, #tpu.memory_space<hbm>>) target(%arg5 : memref<2x128xi32, #tpu.memory_space<vmem>>) target_semaphore(%run_scoped3A : memref<!tpu.dma_semaphore, #tpu.memory_space<semaphore_mem>>)
      %dma_wait3A_47 = arith.constant 0 : i32
      %dma_wait3A_48 = tpu.memref_slice %arg3[%mul3A_2, %dma_wait3A_47] : memref<64x128xi32, #tpu.memory_space<hbm>> -> memref<2x128xi32, #tpu.memory_space<hbm>>
      %dma_wait3A_49 = arith.constant 0 : i32
      %dma_wait3A_50 = tpu.memref_slice %arg3[%mul3A_2, %dma_wait3A_49] : memref<64x128xi32, #tpu.memory_space<hbm>> -> memref<2x128xi32, #tpu.memory_space<hbm>>
      tpu.wait_dma2 semaphore(%run_scoped3A : memref<!tpu.dma_semaphore, #tpu.memory_space<semaphore_mem>>) src(%dma_wait3A_50 : memref<2x128xi32, #tpu.memory_space<hbm>>) dst(%arg5 : memref<2x128xi32, #tpu.memory_space<vmem>>)
      tpu.yield
    }) : () -> ()
    %dma_start3A = arith.constant 0 : i32
    %dma_start3A_3 = arith.constant 0 : i32
    %dma_start3A_4 = arith.constant 0 : i32
    %dma_start3A_5 = tpu.memref_slice %arg6[%dma_start3A_3, %dma_start3A_4] : memref<256x256xf32, #tpu.memory_space<vmem>> -> memref<128x256xf32, #tpu.memory_space<vmem>>
    %dma_start3A_6 = arith.constant 0 : i32
    %dma_start3A_7 = tpu.memref_slice %arg5[%dma_start3A, %dma_start3A_6] : memref<2x128xi32, #tpu.memory_space<vmem>> -> memref<1x128xi32, #tpu.memory_space<vmem>>
    %dma_start3A_8 = tpu.memref_squeeze %dma_start3A_7 : memref<1x128xi32, #tpu.memory_space<vmem>> -> memref<128xi32, #tpu.memory_space<vmem>>
    %dma_start3A_9 = arith.constant 0 : i32
    %dma_start3A_10 = arith.constant 0 : i32
    %dma_start3A_11 = tpu.memref_slice %arg2[%dma_start3A_9, %dma_start3A_10] : memref<512x256xf32, #tpu.memory_space<hbm>> -> memref<512x256xf32, #tpu.memory_space<hbm>>
    tpu.enqueue_indirect_dma source(%dma_start3A_11 : memref<512x256xf32, #tpu.memory_space<hbm>>) target(%dma_start3A_5 : memref<128x256xf32, #tpu.memory_space<vmem>>) offsets(%dma_start3A_8 : memref<128xi32, #tpu.memory_space<vmem>>) semaphore(%arg7 : memref<!tpu.dma_semaphore, #tpu.memory_space<semaphore_mem>>)
    %dma_start3A_12 = arith.constant 1 : i32
    %dma_start3A_13 = arith.constant 128 : i32
    %dma_start3A_14 = arith.constant 0 : i32
    %dma_start3A_15 = tpu.memref_slice %arg6[%dma_start3A_13, %dma_start3A_14] : memref<256x256xf32, #tpu.memory_space<vmem>> -> memref<128x256xf32, #tpu.memory_space<vmem>>
    %dma_start3A_16 = arith.constant 0 : i32
    %dma_start3A_17 = tpu.memref_slice %arg5[%dma_start3A_12, %dma_start3A_16] : memref<2x128xi32, #tpu.memory_space<vmem>> -> memref<1x128xi32, #tpu.memory_space<vmem>>
    %dma_start3A_18 = tpu.memref_squeeze %dma_start3A_17 : memref<1x128xi32, #tpu.memory_space<vmem>> -> memref<128xi32, #tpu.memory_space<vmem>>
    %dma_start3A_19 = arith.constant 0 : i32
    %dma_start3A_20 = arith.constant 0 : i32
    %dma_start3A_21 = tpu.memref_slice %arg2[%dma_start3A_19, %dma_start3A_20] : memref<512x256xf32, #tpu.memory_space<hbm>> -> memref<512x256xf32, #tpu.memory_space<hbm>>
    tpu.enqueue_indirect_dma source(%dma_start3A_21 : memref<512x256xf32, #tpu.memory_space<hbm>>) target(%dma_start3A_15 : memref<128x256xf32, #tpu.memory_space<vmem>>) offsets(%dma_start3A_18 : memref<128xi32, #tpu.memory_space<vmem>>) semaphore(%arg7 : memref<!tpu.dma_semaphore, #tpu.memory_space<semaphore_mem>>)
    %dma_wait3A = arith.constant 0 : i32
    %dma_wait3A_22 = arith.constant 0 : i32
    %dma_wait3A_23 = arith.constant 0 : i32
    %dma_wait3A_24 = tpu.memref_slice %arg6[%dma_wait3A_22, %dma_wait3A_23] : memref<256x256xf32, #tpu.memory_space<vmem>> -> memref<128x256xf32, #tpu.memory_space<vmem>>
    %dma_wait3A_25 = arith.constant 0 : i32
    %dma_wait3A_26 = tpu.memref_slice %arg5[%dma_wait3A, %dma_wait3A_25] : memref<2x128xi32, #tpu.memory_space<vmem>> -> memref<1x128xi32, #tpu.memory_space<vmem>>
    %dma_wait3A_27 = tpu.memref_squeeze %dma_wait3A_26 : memref<1x128xi32, #tpu.memory_space<vmem>> -> memref<128xi32, #tpu.memory_space<vmem>>
    %dma_wait3A_28 = arith.constant 0 : i32
    %dma_wait3A_29 = arith.constant 0 : i32
    %dma_wait3A_30 = tpu.memref_slice %arg2[%dma_wait3A_28, %dma_wait3A_29] : memref<512x256xf32, #tpu.memory_space<hbm>> -> memref<512x256xf32, #tpu.memory_space<hbm>>
    tpu.wait_indirect_dma semaphore(%arg7 : memref<!tpu.dma_semaphore, #tpu.memory_space<semaphore_mem>>) src(%dma_wait3A_30 : memref<512x256xf32, #tpu.memory_space<hbm>>) dst(%dma_wait3A_24 : memref<128x256xf32, #tpu.memory_space<vmem>>)
    %dma_wait3A_31 = arith.constant 1 : i32
    %dma_wait3A_32 = arith.constant 128 : i32
    %dma_wait3A_33 = arith.constant 0 : i32
    %dma_wait3A_34 = tpu.memref_slice %arg6[%dma_wait3A_32, %dma_wait3A_33] : memref<256x256xf32, #tpu.memory_space<vmem>> -> memref<128x256xf32, #tpu.memory_space<vmem>>
    %dma_wait3A_35 = arith.constant 0 : i32
    %dma_wait3A_36 = tpu.memref_slice %arg5[%dma_wait3A_31, %dma_wait3A_35] : memref<2x128xi32, #tpu.memory_space<vmem>> -> memref<1x128xi32, #tpu.memory_space<vmem>>
    %dma_wait3A_37 = tpu.memref_squeeze %dma_wait3A_36 : memref<1x128xi32, #tpu.memory_space<vmem>> -> memref<128xi32, #tpu.memory_space<vmem>>
    %dma_wait3A_38 = arith.constant 0 : i32
    %dma_wait3A_39 = arith.constant 0 : i32
    %dma_wait3A_40 = tpu.memref_slice %arg2[%dma_wait3A_38, %dma_wait3A_39] : memref<512x256xf32, #tpu.memory_space<hbm>> -> memref<512x256xf32, #tpu.memory_space<hbm>>
    tpu.wait_indirect_dma semaphore(%arg7 : memref<!tpu.dma_semaphore, #tpu.memory_space<semaphore_mem>>) src(%dma_wait3A_40 : memref<512x256xf32, #tpu.memory_space<hbm>>) dst(%dma_wait3A_34 : memref<128x256xf32, #tpu.memory_space<vmem>>)
    %mul3A_41 = arith.constant 256 : i32
    %mul3A_42 = arith.muli %add3A, %mul3A_41 : i32
    "tpu.region"() ({
      %run_scoped3A = tpu.sem_alloc : memref<!tpu.dma_semaphore, #tpu.memory_space<semaphore_mem>>
      %dma_start3A_43 = arith.constant 0 : i32
      %dma_start3A_44 = tpu.memref_slice %arg4[%mul3A_42, %dma_start3A_43] : memref<8192x256xf32, #tpu.memory_space<hbm>> -> memref<256x256xf32, #tpu.memory_space<hbm>>
      %dma_start3A_45 = arith.constant 0 : i32
      %dma_start3A_46 = tpu.memref_slice %arg4[%mul3A_42, %dma_start3A_45] : memref<8192x256xf32, #tpu.memory_space<hbm>> -> memref<256x256xf32, #tpu.memory_space<hbm>>
      tpu.enqueue_dma source(%arg6 : memref<256x256xf32, #tpu.memory_space<vmem>>) target(%dma_start3A_46 : memref<256x256xf32, #tpu.memory_space<hbm>>) target_semaphore(%run_scoped3A : memref<!tpu.dma_semaphore, #tpu.memory_space<semaphore_mem>>)
      %dma_wait3A_47 = arith.constant 0 : i32
      %dma_wait3A_48 = tpu.memref_slice %arg4[%mul3A_42, %dma_wait3A_47] : memref<8192x256xf32, #tpu.memory_space<hbm>> -> memref<256x256xf32, #tpu.memory_space<hbm>>
      %dma_wait3A_49 = arith.constant 0 : i32
      %dma_wait3A_50 = tpu.memref_slice %arg4[%mul3A_42, %dma_wait3A_49] : memref<8192x256xf32, #tpu.memory_space<hbm>> -> memref<256x256xf32, #tpu.memory_space<hbm>>
      tpu.wait_dma2 semaphore(%run_scoped3A : memref<!tpu.dma_semaphore, #tpu.memory_space<semaphore_mem>>) src(%arg6 : memref<256x256xf32, #tpu.memory_space<vmem>>) dst(%dma_wait3A_50 : memref<256x256xf32, #tpu.memory_space<hbm>>)
      tpu.yield
    }) : () -> ()
    return
  }
}

module attributes {stable_mosaic.version = 14 : i64} {
  func.func @_argmin_body(%arg0: i32, %arg1: memref<2048x256xf32, #tpu.memory_space<vmem>>, %arg2: memref<512x256xf32, #tpu.memory_space<vmem>>, %arg3: memref<16x128xi32, #tpu.memory_space<vmem>>, %arg4: memref<1x1x2048xf32, #tpu.memory_space<vmem>>) attributes {dimension_semantics = [#tpu.dimension_semantics<arbitrary>], iteration_bounds = array<i64: 4>, scalar_prefetch = 0 : i64, scratch_operands = 0 : i64, tpu.core_type = #tpu.core_type<tc>, window_params = [{transform_indices = @transform_0, window_bounds = array<i64: 2048, 256>}, {pipeline_mode = #tpu.pipeline_mode<synchronous>, transform_indices = @transform_1, window_bounds = array<i64: 512, 256>}, {transform_indices = @transform_2, window_bounds = array<i64: 16, 128>}, {pipeline_mode = #tpu.pipeline_mode<synchronous>, transform_indices = @transform_3, window_bounds = array<i64: 1, 1, 2048>}]} {
    %get3A = arith.constant 0 : index
    %get3A_0 = arith.constant 0 : index
    %get3A_1 = vector.load %arg1[%get3A, %get3A_0] : memref<2048x256xf32, #tpu.memory_space<vmem>>, vector<2048x256xf32>
    %get3A_2 = arith.constant 0 : index
    %get3A_3 = arith.constant 0 : index
    %get3A_4 = vector.load %arg2[%get3A_2, %get3A_3] : memref<512x256xf32, #tpu.memory_space<vmem>>, vector<512x256xf32>
    %mul3A = arith.mulf %get3A_1, %get3A_1 : vector<2048x256xf32>
    %reduce_sum3A = arith.constant dense<0.000000e+00> : vector<2048xf32>
    %reduce_sum3A_5 = vector.multi_reduction <add>, %mul3A, %reduce_sum3A [1] : vector<2048x256xf32> to vector<2048xf32>
    %broadcast_in_dim3A = vector.shape_cast %reduce_sum3A_5 : vector<2048xf32> to vector<2048x1xf32>
    %broadcast_in_dim3A_6 = vector.shape_cast %broadcast_in_dim3A : vector<2048x1xf32> to vector<2048x1xf32>
    %broadcast_in_dim3A_7 = vector.broadcast %broadcast_in_dim3A_6 : vector<2048x1xf32> to vector<2048x128xf32>
    %transpose3A = tpu.transpose %broadcast_in_dim3A_7, [1, 0] : vector<2048x128xf32> -> vector<128x2048xf32>
    %slice3A = vector.extract_strided_slice %transpose3A {offsets = [0, 0], sizes = [1, 2048], strides = [1, 1]} : vector<128x2048xf32> to vector<1x2048xf32>
    %mul3A_8 = arith.mulf %get3A_4, %get3A_4 : vector<512x256xf32>
    %reduce_sum3A_9 = arith.constant dense<0.000000e+00> : vector<512xf32>
    %reduce_sum3A_10 = vector.multi_reduction <add>, %mul3A_8, %reduce_sum3A_9 [1] : vector<512x256xf32> to vector<512xf32>
    %broadcast_in_dim3A_11 = vector.shape_cast %reduce_sum3A_10 : vector<512xf32> to vector<512x1xf32>
    %dot_general3A = arith.constant dense<0.000000e+00> : vector<512x2048xf32>
    %dot_general3A_12 = tpu.matmul %get3A_4, %get3A_1, %dot_general3A {dimension_numbers = #tpu.dot_dimension_numbers<[1], [1], [0], [0], [0, 0, 1, 0], [], []>, transpose_lhs_hint = false} : vector<512x256xf32>, vector<2048x256xf32>, vector<512x2048xf32> -> vector<512x2048xf32>
    %add3A = vector.broadcast %slice3A : vector<1x2048xf32> to vector<512x2048xf32>
    %add3A_13 = vector.broadcast %broadcast_in_dim3A_11 : vector<512x1xf32> to vector<512x2048xf32>
    %add3A_14 = arith.addf %add3A, %add3A_13 : vector<512x2048xf32>
    %mul3A_15 = arith.constant 2.000000e+00 : f32
    %mul3A_16 = vector.broadcast %mul3A_15 : f32 to vector<512x2048xf32>
    %mul3A_17 = arith.mulf %mul3A_16, %dot_general3A_12 : vector<512x2048xf32>
    %sub3A = arith.subf %add3A_14, %mul3A_17 : vector<512x2048xf32>
    %max3A = arith.constant 0.000000e+00 : f32
    %max3A_18 = vector.broadcast %max3A : f32 to vector<512x2048xf32>
    %max3A_19 = arith.maximumf %sub3A, %max3A_18 : vector<512x2048xf32>
    %sqrt3A = math.sqrt %max3A_19 : vector<512x2048xf32>
    %reduce_min3A = arith.constant dense<0x7F800000> : vector<2048xf32>
    %reduce_min3A_20 = vector.multi_reduction <minimumf>, %sqrt3A, %reduce_min3A [0] : vector<512x2048xf32> to vector<2048xf32>
    %broadcast_in_dim3A_21 = vector.shape_cast %reduce_min3A_20 : vector<2048xf32> to vector<1x2048xf32>
    %iota3A = tpu.iota {dimensions = array<i32: 0>} : vector<512x2048xi32>
    %eq3A = vector.broadcast %broadcast_in_dim3A_21 : vector<1x2048xf32> to vector<512x2048xf32>
    %eq3A_22 = arith.cmpf oeq, %sqrt3A, %eq3A : vector<512x2048xf32>
    %jit3A = arith.constant 512 : i32
    %broadcast_in_dim3A_23 = vector.broadcast %jit3A : i32 to vector<512x2048xi32>
    %select_n3A = arith.select %eq3A_22, %iota3A, %broadcast_in_dim3A_23 : vector<512x2048xi1>, vector<512x2048xi32>
    %reduce_min3A_24 = arith.constant dense<2147483647> : vector<2048xi32>
    %reduce_min3A_25 = vector.multi_reduction <minsi>, %select_n3A, %reduce_min3A_24 [0] : vector<512x2048xi32> to vector<2048xi32>
    %reshape3A = vector.shape_cast %reduce_min3A_25 : vector<2048xi32> to vector<16x128xi32>
    %swap3A = arith.constant 0 : index
    %swap3A_26 = arith.constant 0 : index
    %swap3A_27 = vector.load %arg3[%swap3A, %swap3A_26] : memref<16x128xi32, #tpu.memory_space<vmem>>, vector<16x128xi32>
    tpu.vector_store %arg3[%swap3A, %swap3A_26], %reshape3A {strides = array<i32>} : memref<16x128xi32, #tpu.memory_space<vmem>>, vector<16x128xi32>,
    %squeeze3A = vector.shape_cast %broadcast_in_dim3A_21 : vector<1x2048xf32> to vector<2048xf32>
    %squeeze3A_28 = vector.shape_cast %broadcast_in_dim3A_21 : vector<1x2048xf32> to vector<2048xf32>
    %mul3A_29 = arith.mulf %squeeze3A, %squeeze3A_28 : vector<2048xf32>
    %eq3A_30 = arith.constant 0 : i32
    %eq3A_31 = arith.cmpi eq, %arg0, %eq3A_30 : i32
    %convert_element_type3A = arith.extui %eq3A_31 : i1 to i32
    %cond3A = arith.constant 0 : i32
    %cond3A_32 = arith.cmpi ne, %convert_element_type3A, %cond3A : i32
    scf.if %cond3A_32 {
      %swap3A_37 = arith.constant 0 : index
      %swap3A_38 = arith.constant 0 : index
      %swap3A_39 = arith.constant 0 : index
      %swap3A_40 = vector.load %arg4[%swap3A_37, %swap3A_38, %swap3A_39] : memref<1x1x2048xf32, #tpu.memory_space<vmem>>, vector<1x1x2048xf32>
      %swap3A_41 = vector.shape_cast %swap3A_40 : vector<1x1x2048xf32> to vector<2048xf32>
      %swap3A_42 = vector.shape_cast %mul3A_29 : vector<2048xf32> to vector<1x1x2048xf32>
      tpu.vector_store %arg4[%swap3A_37, %swap3A_38, %swap3A_39], %swap3A_42 {strides = array<i32>} : memref<1x1x2048xf32, #tpu.memory_space<vmem>>, vector<1x1x2048xf32>,
    } else {
    }
    %gt3A = arith.constant 0 : i32
    %gt3A_33 = arith.cmpi sgt, %arg0, %gt3A : i32
    %convert_element_type3A_34 = arith.extui %gt3A_33 : i1 to i32
    %cond3A_35 = arith.constant 0 : i32
    %cond3A_36 = arith.cmpi ne, %convert_element_type3A_34, %cond3A_35 : i32
    scf.if %cond3A_36 {
      %get3A_37 = arith.constant 0 : index
      %get3A_38 = arith.constant 0 : index
      %get3A_39 = arith.constant 0 : index
      %get3A_40 = vector.load %arg4[%get3A_37, %get3A_38, %get3A_39] : memref<1x1x2048xf32, #tpu.memory_space<vmem>>, vector<1x1x2048xf32>
      %get3A_41 = vector.shape_cast %get3A_40 : vector<1x1x2048xf32> to vector<2048xf32>
      %add3A_42 = arith.addf %get3A_41, %mul3A_29 : vector<2048xf32>
      %swap3A_43 = arith.constant 0 : index
      %swap3A_44 = arith.constant 0 : index
      %swap3A_45 = arith.constant 0 : index
      %swap3A_46 = vector.load %arg4[%swap3A_43, %swap3A_44, %swap3A_45] : memref<1x1x2048xf32, #tpu.memory_space<vmem>>, vector<1x1x2048xf32>
      %swap3A_47 = vector.shape_cast %swap3A_46 : vector<1x1x2048xf32> to vector<2048xf32>
      %swap3A_48 = vector.shape_cast %add3A_42 : vector<2048xf32> to vector<1x1x2048xf32>
      tpu.vector_store %arg4[%swap3A_43, %swap3A_44, %swap3A_45], %swap3A_48 {strides = array<i32>} : memref<1x1x2048xf32, #tpu.memory_space<vmem>>, vector<1x1x2048xf32>,
    } else {
    }
    return
  }
  func.func @transform_0(%arg0: i32) -> (i32, i32) {
    %c0_i32 = arith.constant 0 : i32
    %c0_i32_0 = arith.constant 0 : i32
    return %arg0, %c0_i32 : i32, i32
  }
  func.func @transform_1(%arg0: i32) -> (i32, i32) {
    %c0_i32 = arith.constant 0 : i32
    %c0_i32_0 = arith.constant 0 : i32
    %c0_i32_1 = arith.constant 0 : i32
    return %c0_i32, %c0_i32_0 : i32, i32
  }
  func.func @transform_2(%arg0: i32) -> (i32, i32) {
    %c0_i32 = arith.constant 0 : i32
    %c0_i32_0 = arith.constant 0 : i32
    return %arg0, %c0_i32 : i32, i32
  }
  func.func @transform_3(%arg0: i32) -> (i32, i32, i32) {
    %c0_i32 = arith.constant 0 : i32
    %c0_i32_0 = arith.constant 0 : i32
    %c0_i32_1 = arith.constant 0 : i32
    %c0_i32_2 = arith.constant 0 : i32
    return %c0_i32, %c0_i32_0, %c0_i32_1 : i32, i32, i32
  }
}

</mosaic_0001>

<sc_bundles>
// kernel: kernel.4.cloned.1.call-start
scs
__scs_entry_jumppad:
0x0: {  	(pc) =	sbr.rel $0x88, $3  }
0x1: {  	(tag) =	ssettag $0x0;
	lr =	simm.s32 $0x1  }
0x2: {  	[smem:$0x3F9F] =	sst lr;
	_ =	strace $0xD0000000  }
0x3: {  	_ = 	snop  }
0x4: {  	_ = 	snop  }
0x5: {  	_ = 	snop  }
0x6: {  	_ = 	snop  }
0x7: {  	_ = 	snop  }
__scs_overlays_trampoline_lowered:
0x8: {  	[smem:$0x3FAE] =	sst s0  }
0x9: {  	[smem:$0x3FAF] =	sst s1  }
0xa: {  	[smem:$0x3FB0] =	sst s2  }
0xb: {  	[smem:$0x3FB1] =	sst s3  }
0xc: {  	[smem:$0x3FB2] =	sst s4  }
0xd: {  	[smem:$0x3FB3] =	sst s5  }
0xe: {  	[smem:$0x3FB4] =	sst s6  }
0xf: {  	[smem:$0x3FB5] =	sst s7  }
0x10: {  	[smem:$0x3FB6] =	sst s8  }
0x11: {  	[smem:$0x3FB7] =	sst s9;
	s0 =	simm.s32 @!p0 $0x0  }
0x12: {  	s1 =	sld [smem:$0x3F9D];
	s0 =	simm.s32 @p0 $0x1  }
0x13: {  	[smem:$0x3FB8] =	sst s0;
	s0 =	simm.s32 @!p1 $0x0  }
0x14: {  	s2 =	sld [smem:$0x3F9C];
	s0 =	simm.s32 @p1 $0x1  }
0x15: {  	[smem:$0x3FB9] =	sst s0;
	s0 =	simm.s32 @!p2 $0x0  }
0x16: {  	s3 =	sld [smem:$0x3FDB];
	s0 =	simm.s32 @p2 $0x1  }
0x17: {  	s4 =	simm.s32 $0x1BF5;
	[smem:$0x3FBB] =	sst s0  }
0x18: {  	s0 =	sld [smem:$0x3F9E];
	_ =	swait.ge [sflag:s4], $0x0  }
0x19: {  	s7 =	sld [smem:$0x3F9F]  }
0x1a: {  	s8 =	sadd.s32 $0xFFFFE003, lr  }
0x1b: {  	s9 =	sadd.s32 $0xFFFFFEF7, lr;
	s5 =	simm.s32 $0xFFFFFFFF;
	p2 =	slt.u32 s8, $0xFFFFF086  }
0x1c: {  	p1 =	slt.u32 s9, $0xF7A;
	s5 =	simm.s32 @!p2 $0x0  }
0x1d: {  	s5 =	simm.s32 @p1 $0x1;
	p0 =	seq.s32 s7, s2  }
0x1e: {  	s7 =	smul.u32 @!p0 $0xF7A, s2;
	p2 =	seq.s32 @!p0 s5, $0x0  }
0x1f: {  	s9 =	smul.u32 $0xF7A, s1;
	s8 =	simm.s32 @!p0 $0x1BF5;
	p2 =	por !p2, p0  }
0x20: {  	[sflag:s8] =	ssyncset.s32 @!p0 $0xFFFFF086;
	s6 =	sadd.s32 @!p0 s3, s7;
	s7 =	simm.s32 @!p0 $0x108  }
0x21: {  	s3 =	sadd.s32 s3, s9;
	s6 =	sadd.s32 @!p0 $0x88, s6;
	s7 =	simm.s32 @p2 $0x1082  }
0x22: {  	[simem:s7], [sflag:s8] =	dma.local @!p0 [hbm:s6], $0xF7A  }
0x23: {  	s9 =	sor.u32 $0xD0000000, s2;
	s6 =	simm.s32 $0x108;
	_ =	swait.ge @!p0 [sflag:s8], $0x0  }
0x24: {  	s3 =	sadd.s32 $0x88, s3;
	s6 =	simm.s32 @!p1 $0x1082;
	[sflag:s4] =	ssyncset.s32 $0xFFFFF086  }
0x25: {  	[simem:s6], [sflag:s4] =	dma.local [hbm:s3], $0xF7A  }
0x26: {  	[smem:$0x3F9F] =	sst s1;
	(tag) =	ssettag s2;
	_ =	strace s9  }
0x27: {  	s1 =	sld [smem:$0x3FAF]  }
0x28: {  	s2 =	sld [smem:$0x3FB0]  }
0x29: {  	s4 =	sld [smem:$0x3FB2]  }
0x2a: {  	p0 =	seq.s32 s5, $0x0;
	s5 =	sld [smem:$0x3FB3]  }
0x2b: {  	s6 =	sld [smem:$0x3FB4]  }
0x2c: {  	s7 =	sld [smem:$0x3FB5]  }
0x2d: {  	s3 =	simm.s32 $0x108;
	s8 =	sld [smem:$0x3FB6]  }
0x2e: {  	s3 =	simm.s32 @!p0 $0x1082;
	s9 =	sld [smem:$0x3FB7]  }
0x2f: {  	lr =	sadd.s32 s0, s3;
	s0 =	sld [smem:$0x3FAE]  }
0x30: {  	s3 =	sld [smem:$0x3FB1]  }
0x31: {  	[smem:$0x3FBA] =	sst s10  }
0x32: {  	s10 =	sld [smem:$0x3FB8];
	_ =	sdelay $0x3  }
0x33: {  	p0 =	seq.s32 s10, $0x1;
	s10 =	sld [smem:$0x3FBA];
	_ =	sdelay $0x3  }
0x34: {  	[smem:$0x3FBA] =	sst s10  }
0x35: {  	s10 =	sld [smem:$0x3FB9];
	_ =	sdelay $0x3  }
0x36: {  	p1 =	seq.s32 s10, $0x1;
	s10 =	sld [smem:$0x3FBA];
	_ =	sdelay $0x3  }
0x37: {  	[smem:$0x3FBA] =	sst s10  }
0x38: {  	s10 =	sld [smem:$0x3FBB]  }
0x39: {  	_ = 	snop;
	(pc) =	sbr.ind lr, $3  }
0x3a: {  	_ = 	snop  }
0x3b: {  	_ = 	snop  }
0x3c: {  	p2 =	seq.s32 s10, $0x1;
	s10 =	sld [smem:$0x3FBA]  }
0x3d: {  	_ =	shalt  }
0x3e: {  	_ =	shalt  }
0x3f: {  	_ =	shalt  }
0x40: {  	_ =	shalt  }
0x41: {  	_ =	shalt  }
0x42: {  	_ =	shalt  }
0x43: {  	_ =	shalt  }
0x44: {  	_ =	shalt  }
0x45: {  	_ =	shalt  }
0x46: {  	_ =	shalt  }
0x47: {  	_ =	shalt  }
0x48: {  	_ =	shalt  }
0x49: {  	_ =	shalt  }
0x4a: {  	_ =	shalt  }
0x4b: {  	_ =	shalt  }
0x4c: {  	_ =	shalt  }
0x4d: {  	_ =	shalt  }
0x4e: {  	_ =	shalt  }
0x4f: {  	_ =	shalt  }
0x50: {  	_ =	shalt  }
0x51: {  	_ =	shalt  }
0x52: {  	_ =	shalt  }
0x53: {  	_ =	shalt  }
0x54: {  	_ =	shalt  }
0x55: {  	_ =	shalt  }
0x56: {  	_ =	shalt  }
0x57: {  	_ =	shalt  }
0x58: {  	_ =	shalt  }
0x59: {  	_ =	shalt  }
0x5a: {  	_ =	shalt  }
0x5b: {  	_ =	shalt  }
0x5c: {  	_ =	shalt  }
0x5d: {  	_ =	shalt  }
0x5e: {  	_ =	shalt  }
0x5f: {  	_ =	shalt  }
0x60: {  	_ =	shalt  }
0x61: {  	_ =	shalt  }
0x62: {  	_ =	shalt  }
0x63: {  	_ =	shalt  }
0x64: {  	_ =	shalt  }
0x65: {  	_ =	shalt  }
0x66: {  	_ =	shalt  }
0x67: {  	_ =	shalt  }
0x68: {  	_ =	shalt  }
0x69: {  	_ =	shalt  }
0x6a: {  	_ =	shalt  }
0x6b: {  	_ =	shalt  }
0x6c: {  	_ =	shalt  }
0x6d: {  	_ =	shalt  }
0x6e: {  	_ =	shalt  }
0x6f: {  	_ =	shalt  }
0x70: {  	_ =	shalt  }
0x71: {  	_ =	shalt  }
0x72: {  	_ =	shalt  }
0x73: {  	_ =	shalt  }
0x74: {  	_ =	shalt  }
0x75: {  	_ =	shalt  }
0x76: {  	_ =	shalt  }
0x77: {  	_ =	shalt  }
0x78: {  	_ =	shalt  }
0x79: {  	_ =	shalt  }
0x7a: {  	_ =	shalt  }
0x7b: {  	_ =	shalt  }
0x7c: {  	_ =	shalt  }
0x7d: {  	_ =	shalt  }
0x7e: {  	_ =	shalt  }
0x7f: {  	_ =	shalt  }
0x80: {  	_ =	shalt  }
0x81: {  	_ =	shalt  }
0x82: {  	_ =	shalt  }
0x83: {  	_ =	shalt  }
0x84: {  	_ =	shalt  }
0x85: {  	_ =	shalt  }
0x86: {  	_ =	shalt  }
0x87: {  	_ =	shalt  }
.Lfunc_end0:
.L_simem_size_0:
called_computation_lowered:
.L_overlay_start_0:
0x88: {  	s2 =	sld [smem:$0x3FD9]  }
0x89: {  	s3 =	sld [smem:$0x3FFE];
	_ =	sdelay $0x1  }
0x8a: {  	s1 =	srdreg.scid  }
0x8b: {  	s0 =	sand.u32 $0x1, s1  }
0x8c: {  	s14 =	sshll.u32 s0, $0xA;
	s2 =	sadd.s32 s3, s2  }
0x8d: {  	s2 =	sadd.s32 s2, s14  }
0x8e: {  	[smem:$0x3FC6] =	sst s2  }
0x8f: {  	_ = 	snop  }
0x90: {  	s2 =	sld [smem:$0x3FD0];
	_ =	sdelay $0x2  }
0x91: {  	s4 =	simm.s32 $0xA;
	s5 =	simm.s32 $0x10;
	s15 =	sld [smem:$0x3FC8]  }
0x92: {  	[smem:s5], [sflag:s4] =	dma.local [hbm:s2], $0x1  }
0x93: {  	_ =	swait.eq [sflag:s4], $0x1  }
0x94: {  	[sflag:s4] =	ssyncset.done $0x0  }
0x95: {  	[sflag:s4] =	ssyncadd.s32 $0xFFFFFFFF  }
0x96: {  	s16 =	sld [smem:$0x10];
	(tm) =	ssettm $0x1  }
0x97: {  	s17 =	sld [smem:$0x3FFB];
	_ =	sdelay $0x3  }
0x98: {  	_ =	strace s17  }
0x99: {  	s4 =	sld [smem:$0x3FFC];
	_ =	sdelay $0x3  }
0x9a: {  	_ =	strace s4  }
0x9b: {  	s4 =	sld [smem:$0x3FFD];
	_ =	sdelay $0x3  }
0x9c: {  	_ =	strace s4  }
0x9d: {  	_ =	strace $0x8FFFFFFF  }
0x9e: {  	s18 =	sld [smem:$0x3FDB];
	_ =	sdelay $0x1  }
0x9f: {  	s19 =	simm.s32 $_scs_section_size  }
0xa0: {  	s6 =	simm.s32 $_size__tile_overlayer_lowered;
	s7 =	simm.s32 $_tile_overlayer_lowered  }
0xa1: {  	s22 =	simm.s32 $0x1BFF;
	s21 =	sshll.u32 s7, $0x1;
	s4 =	sadd.s32 s19, s18  }
0xa2: {  	s8 =	simm.s32 $0x0;
	s20 =	sshll.u32 s6, $0x1;
	s6 =	sadd.s32 s21, s4  }
0xa3: {  	[timem:s8], [sflag:s22] =	dma.local [hbm:s6], s20  }
0xa4: {  	_ =	swait.ge [sflag:s22], s20  }
0xa5: {  	s5 =	ssub.s32 $0x0, s20;
	[sflag:s22] =	ssyncset.done $0x0  }
0xa6: {  	[sflag:s22] =	ssyncadd.s32 s5;
	_ =	sdelay $0x1  }
0xa7: {  	s23 =	simm.s32 $0x1B8B  }
0xa8: {  	_ =	swait.ge [sflag:s23], $0x1  }
0xa9: {  	[sflag:s23] =	ssyncset.done $0x0  }
0xaa: {  	s25 =	simm.s32 $0x1B8E;
	s24 =	sld [smem:$0x3FFE];
	[sflag:s23] =	ssyncadd.s32 $0xFFFFFFFF  }
0xab: {  	s26 =	simm.s32 $execute0_lowered;
	[smem:$0x3FD2] =	sst s25  }
0xac: {  	s6 =	sshll.u32 s26, $0x1;
	_ =	strace $0x80000046;
	[dreg:$0x1] =	wrdreg $0xFFFFFFFF  }
0xad: {  	s28 =	simm.s32 $_size_execute0_lowered;
	s4 =	sadd.s32 s4, s6;
	[dreg:$0x0] =	wrdreg $0x0  }
0xae: {  	s6 =	sshll.u32 s28, $0x1;
	[dreg:$0x2] =	wrdreg s4  }
0xaf: {  	[dreg:$0x3] =	wrdreg s6  }
0xb0: {  	[dreg:$0x4] =	wrdreg $0xC0  }
0xb1: {  	_ =	task [dreg:s8], $0x5FFFF  }
0xb2: {  	[dreg:$0x1] =	wrdreg $0xFFFFFFFF  }
0xb3: {  	[dreg:$0x0] =	wrdreg $0x60  }
0xb4: {  	[dreg:$0x2] =	wrdreg s15  }
0xb5: {  	[dreg:$0x3] =	wrdreg s24  }
0xb6: {  	[dreg:$0x4] =	wrdreg s16  }
0xb7: {  	[dreg:$0x5] =	wrdreg $0x9  }
0xb8: {  	_ =	task.clear_ibuf [dreg:s8], $0x6FFFF;
	_ =	strace $0x90000046  }
0xb9: {  	s29 =	simm.s32 $0x9;
	_ =	strace $0x80000048  }
0xba: {  	_ =	swait.ge [sflag:s29], $0x1  }
0xbb: {  	[sflag:s29] =	ssyncadd.s32 $0xFFFFFFFF  }
0xbc: {  	_ =	strace $0x90000048  }
0xbd: {  	_ =	sfence  }
0xbe: {  	s30 =	sld [smem:$0x0];
	_ =	sdelay $0x2  }
0xbf: {  	s31 =	sshll.u32 s1, $0xD;
	s1 =	sshrl.u32 s1, $0x2  }
0xc0: {  	s3 =	sand.u32 $0x4000, s31;
	s1 =	sadd.s32 s1, s30  }
0xc1: {  	s0 =	sor.u32 s3, s0;
	s1 =	sshll.u32 s1, $0x11  }
0xc2: {  	s0 =	sor.u32 s1, s0  }
0xc3: {  	s0 =	sadd.s32 $0x8F2B, s0  }
0xc4: {  	[sflag:s0] =	ssyncadd.remote.s32 $0x1  }
0xc5: {  	_ =	sfence.sel $0xFFFF  }
0xc6: {  	[dreg:$0x0] =	wrdreg $0xFFFFFFFF;
	(pc) =	sbr.abs _section_cstart, $3  }
0xc7: {  	[dreg:$0x1] =	wrdreg $0xFFFFFFFF  }
0xc8: {  	_ =	task.clear_ibuf [dreg:s8], $0x2FFFF;
	_ =	strace $0x9FFFFFFF  }
0xc9: {  	(tm) =	ssettm $0x7FFFFFFF  }
tec
execute0_lowered:
.L_overlay_start_1:
0x0: {  	(tag) =	ssettag $0x1  }
0x1: {  	s1 =	rddreg [dreg:$0x0]  }
0x2: {  	s2 =	srdreg.scid;
	s4 =	rddreg [dreg:$0x1]  }
0x3: {  	s0 =	stileid.u32;
	s5 =	rddreg [dreg:$0x2]  }
0x4: {  	s19 =	simm.s32 $0x900;
	s20 =	simm.s32 $0x1100;
	s21 =	simm.s32 $0x1900  }
0x5: {  	s23 =	simm.s32 $0x2100;
	s24 =	simm.s32 $0x2900;
	s25 =	simm.s32 $0x3100  }
0x6: {  	s26 =	simm.s32 $0x3900;
	s8 =	simm.s32 $0x4900;
	s9 =	simm.s32 $0x5100  }
0x7: {  	s10 =	simm.s32 $0x5900;
	s11 =	simm.s32 $0x6100;
	s12 =	simm.s32 $0x6900  }
0x8: {  	s13 =	simm.s32 $0x7100;
	s14 =	simm.s32 $0x7900;
	s15 =	simm.s32 $0x8100  }
0x9: {  	s16 =	simm.s32 $0x8900;
	s2 =	sand.u32 $0x1, s2;
	s3 =	sshll.u32 s0, $0x1  }
0xa: {  	s17 =	simm.s32 $0x9100;
	s6 =	sor.u32 s2, s3;
	s3 =	simm.s32 $0x0  }
0xb: {  	s28 =	simm.s32 $0xE100;
	s29 =	simm.s32 $0xE900;
	[smem:$0x7FF] =	sst s3  }
0xc: {  	s30 =	simm.s32 $0xF100;
	_ =	strace $0x80000047;
	[dreg:$0x6] =	wrdreg s19  }
0xd: {  	s31 =	simm.s32 $0xF900;
	s2 =	ssub.s32 $0x2, s2;
	[dreg:$0x7] =	wrdreg s20  }
0xe: {  	s7 =	sshll.u32 s6, $0x5;
	s6 =	sshll.u32 s6, $0xD;
	[dreg:$0x8] =	wrdreg s21  }
0xf: {  	s22 =	sshrl.u32 s2, $0x1;
	s4 =	sadd.s32 s7, s4;
	[dreg:$0x9] =	wrdreg s23  }
0x10: {  	s18 =	sadd.s32 s5, s6;
	s2 =	ssub.s32 s2, s22;
	[dreg:$0xa] =	wrdreg s24  }
0x11: {  	s5 =	simm.s32 $0x2;
	[dreg:$0xb] =	wrdreg s25;
	s6 =	simm.s32 $0x100  }
0x12: {  	[dreg:$0xc] =	wrdreg s26;
	s19 =	simm.s32 $0xA100;
	s20 =	simm.s32 $0xA900  }
0x13: {  	s21 =	simm.s32 $0xB100;
	s22 =	simm.s32 $0xB900;
	s23 =	simm.s32 $0xC100  }
0x14: {  	v2 =	vlaneseq.u32;
	s24 =	simm.s32 $0xC900;
	s25 =	simm.s32 $0xD100;
	s26 =	simm.s32 $0xD900  }
0x15: {  	vm0 =	vmmov $0xffff;
	v1 =	vshrl.u32 v2, $0x3;
	s4 =	sadd.s32 $0xA00, s4;
	[dreg:$0x5] =	wrdreg s18;
	s18 =	simm.s32 $0x9900  }
0x16: {  	v0 =	vand.u32 $0x7, v2;
	v2 =	vor.u32 $0x8, v2;
	v1 =	vmul.u32 $0x8, v1;
	[dreg:$0x4] =	wrdreg s4;
	s4 =	smax.u32 s2, $0x1;
	s2 =	simm.s32 $0x1  }
.LBB2_1:
0x17: {  	s0 =	rddreg [dreg:$0x4]  }
0x18: {  	[tilespmem:s3], [sflag:$0x2] =	stream.linear.gather [hbm4b:s0+s3], $0x100, $0x38;
	[tilespmem:$0x10100] =	vst v63  }
0x19: {  	_ =	swait.ge [sflag:s5], $0x100  }
0x1a: {  	[sflag:s5] =	ssyncset.done $0x0  }
0x1b: {  	[sflag:s5] =	ssyncadd.s32 $0xFFFFFF00  }
0x1c: {  	v3 =	vld [tilespmem:$0x0];
	_ =	sdelay $0x4  }
0x1d: {  	v4 =	vshll.u32 v3, $0x1  }
0x1e: {  	v3 =	vand.u32 $0x7, v3;
	v4 =	vand.u32 $0xFFFFFFF0, v4  }
0x1f: {  	v3 =	vor.u32 v3, v4  }
0x20: {  	v4 =	vperm.xlane v3, v0;
	_ =	sdelay $0x1  }
0x21: {  	v3 =	vperm.xlane v3, v2;
	v4 =	vadd.s32 v1, v4;
	_ =	sdelay $0x1  }
0x22: {  	v3 =	vadd.s32 v1, v3;
	_ =	sdelay $0x2  }
0x23: {  	[tilespmem:s6], [sflag:$0x1] =	stream.indirect_vreg.gather [hbm4b:s1+s3], $0x80, v4, vm0, $0xb8;
	[tilespmem:$0x10100] =	vst v63  }
0x24: {  	s7 =	rddreg [dreg:$0x6]  }
0x25: {  	[tilespmem:s7], [sflag:$0x1] =	stream.indirect_vreg.gather [hbm4b:s1+s3], $0x80, v3, vm0, $0xb8;
	[tilespmem:$0x10100] =	vst v63  }
0x26: {  	v3 =	vld [tilespmem:$0x10];
	_ =	sdelay $0x4  }
0x27: {  	v49 =	vshll.u32 v3, $0x1  }
0x28: {  	v3 =	vand.u32 $0x7, v3;
	v4 =	vand.u32 $0xFFFFFFF0, v49  }
0x29: {  	v3 =	vor.u32 v3, v4  }
0x2a: {  	v4 =	vperm.xlane v3, v0;
	_ =	sdelay $0x1  }
0x2b: {  	v3 =	vperm.xlane v3, v2;
	v4 =	vadd.s32 v1, v4;
	_ =	sdelay $0x1  }
0x2c: {  	v3 =	vadd.s32 v1, v3;
	_ =	sdelay $0x1  }
0x2d: {  	s0 =	rddreg [dreg:$0x7]  }
0x2e: {  	[tilespmem:s0], [sflag:$0x1] =	stream.indirect_vreg.gather [hbm4b:s1+s3], $0x80, v4, vm0, $0xb8;
	[tilespmem:$0x10100] =	vst v63  }
0x2f: {  	s7 =	rddreg [dreg:$0x8]  }
0x30: {  	[tilespmem:s7], [sflag:$0x1] =	stream.indirect_vreg.gather [hbm4b:s1+s3], $0x80, v3, vm0, $0xb8;
	[tilespmem:$0x10100] =	vst v63  }
0x31: {  	v3 =	vld [tilespmem:$0x20];
	_ =	sdelay $0x4  }
0x32: {  	v50 =	vshll.u32 v3, $0x1  }
0x33: {  	v3 =	vand.u32 $0x7, v3;
	v4 =	vand.u32 $0xFFFFFFF0, v50  }
0x34: {  	v3 =	vor.u32 v3, v4  }
0x35: {  	v4 =	vperm.xlane v3, v0;
	_ =	sdelay $0x1  }
0x36: {  	v3 =	vperm.xlane v3, v2;
	v4 =	vadd.s32 v1, v4;
	_ =	sdelay $0x1  }
0x37: {  	v3 =	vadd.s32 v1, v3;
	_ =	sdelay $0x1  }
0x38: {  	s0 =	rddreg [dreg:$0x9]  }
0x39: {  	[tilespmem:s0], [sflag:$0x1] =	stream.indirect_vreg.gather [hbm4b:s1+s3], $0x80, v4, vm0, $0xb8;
	[tilespmem:$0x10100] =	vst v63  }
0x3a: {  	s7 =	rddreg [dreg:$0xa]  }
0x3b: {  	[tilespmem:s7], [sflag:$0x1] =	stream.indirect_vreg.gather [hbm4b:s1+s3], $0x80, v3, vm0, $0xb8;
	[tilespmem:$0x10100] =	vst v63  }
0x3c: {  	v3 =	vld [tilespmem:$0x30];
	_ =	sdelay $0x4  }
0x3d: {  	v51 =	vshll.u32 v3, $0x1  }
0x3e: {  	v3 =	vand.u32 $0x7, v3;
	v4 =	vand.u32 $0xFFFFFFF0, v51  }
0x3f: {  	v3 =	vor.u32 v3, v4  }
0x40: {  	v4 =	vperm.xlane v3, v0;
	_ =	sdelay $0x1  }
0x41: {  	v3 =	vperm.xlane v3, v2;
	v4 =	vadd.s32 v1, v4;
	_ =	sdelay $0x1  }
0x42: {  	v3 =	vadd.s32 v1, v3;
	_ =	sdelay $0x1  }
0x43: {  	s0 =	rddreg [dreg:$0xb]  }
0x44: {  	[tilespmem:s0], [sflag:$0x1] =	stream.indirect_vreg.gather [hbm4b:s1+s3], $0x80, v4, vm0, $0xb8;
	[tilespmem:$0x10100] =	vst v63  }
0x45: {  	s7 =	rddreg [dreg:$0xc]  }
0x46: {  	[tilespmem:s7], [sflag:$0x1] =	stream.indirect_vreg.gather [hbm4b:s1+s3], $0x80, v3, vm0, $0xb8;
	[tilespmem:$0x10100] =	vst v63  }
0x47: {  	v3 =	vld [tilespmem:$0x40];
	_ =	sdelay $0x4  }
0x48: {  	v52 =	vshll.u32 v3, $0x1  }
0x49: {  	v3 =	vand.u32 $0x7, v3;
	v4 =	vand.u32 $0xFFFFFFF0, v52  }
0x4a: {  	v3 =	vor.u32 v3, v4  }
0x4b: {  	v4 =	vperm.xlane v3, v0;
	_ =	sdelay $0x1  }
0x4c: {  	v3 =	vperm.xlane v3, v2;
	v4 =	vadd.s32 v1, v4;
	_ =	sdelay $0x1  }
0x4d: {  	v3 =	vadd.s32 v1, v3;
	_ =	sdelay $0x1  }
0x4e: {  	s7 =	simm.s32 $0x4100  }
0x4f: {  	[tilespmem:s7], [sflag:$0x1] =	stream.indirect_vreg.gather [hbm4b:s1+s3], $0x80, v4, vm0, $0xb8;
	[tilespmem:$0x10100] =	vst v63  }
0x50: {  	_ = 	snop  }
0x51: {  	[tilespmem:s8], [sflag:$0x1] =	stream.indirect_vreg.gather [hbm4b:s1+s3], $0x80, v3, vm0, $0xb8;
	[tilespmem:$0x10100] =	vst v63  }
0x52: {  	v3 =	vld [tilespmem:$0x50];
	_ =	sdelay $0x4  }
0x53: {  	v53 =	vshll.u32 v3, $0x1  }
0x54: {  	v3 =	vand.u32 $0x7, v3;
	v4 =	vand.u32 $0xFFFFFFF0, v53  }
0x55: {  	v3 =	vor.u32 v3, v4  }
0x56: {  	v4 =	vperm.xlane v3, v0;
	_ =	sdelay $0x1  }
0x57: {  	v3 =	vperm.xlane v3, v2;
	v4 =	vadd.s32 v1, v4;
	_ =	sdelay $0x1  }
0x58: {  	v3 =	vadd.s32 v1, v3;
	_ =	sdelay $0x2  }
0x59: {  	[tilespmem:s9], [sflag:$0x1] =	stream.indirect_vreg.gather [hbm4b:s1+s3], $0x80, v4, vm0, $0xb8;
	[tilespmem:$0x10100] =	vst v63  }
0x5a: {  	_ = 	snop  }
0x5b: {  	[tilespmem:s10], [sflag:$0x1] =	stream.indirect_vreg.gather [hbm4b:s1+s3], $0x80, v3, vm0, $0xb8;
	[tilespmem:$0x10100] =	vst v63  }
0x5c: {  	v3 =	vld [tilespmem:$0x60];
	_ =	sdelay $0x4  }
0x5d: {  	v54 =	vshll.u32 v3, $0x1  }
0x5e: {  	v3 =	vand.u32 $0x7, v3;
	v4 =	vand.u32 $0xFFFFFFF0, v54  }
0x5f: {  	v3 =	vor.u32 v3, v4  }
0x60: {  	v4 =	vperm.xlane v3, v0;
	_ =	sdelay $0x1  }
0x61: {  	v3 =	vperm.xlane v3, v2;
	v4 =	vadd.s32 v1, v4;
	_ =	sdelay $0x1  }
0x62: {  	v3 =	vadd.s32 v1, v3;
	_ =	sdelay $0x2  }
0x63: {  	[tilespmem:s11], [sflag:$0x1] =	stream.indirect_vreg.gather [hbm4b:s1+s3], $0x80, v4, vm0, $0xb8;
	[tilespmem:$0x10100] =	vst v63  }
0x64: {  	_ = 	snop  }
0x65: {  	[tilespmem:s12], [sflag:$0x1] =	stream.indirect_vreg.gather [hbm4b:s1+s3], $0x80, v3, vm0, $0xb8;
	[tilespmem:$0x10100] =	vst v63  }
0x66: {  	v3 =	vld [tilespmem:$0x70];
	_ =	sdelay $0x4  }
0x67: {  	v55 =	vshll.u32 v3, $0x1  }
0x68: {  	v3 =	vand.u32 $0x7, v3;
	v4 =	vand.u32 $0xFFFFFFF0, v55  }
0x69: {  	v3 =	vor.u32 v3, v4  }
0x6a: {  	v4 =	vperm.xlane v3, v0;
	_ =	sdelay $0x1  }
0x6b: {  	v3 =	vperm.xlane v3, v2;
	v4 =	vadd.s32 v1, v4;
	_ =	sdelay $0x1  }
0x6c: {  	v3 =	vadd.s32 v1, v3;
	_ =	sdelay $0x2  }
0x6d: {  	[tilespmem:s13], [sflag:$0x1] =	stream.indirect_vreg.gather [hbm4b:s1+s3], $0x80, v4, vm0, $0xb8;
	[tilespmem:$0x10100] =	vst v63  }
0x6e: {  	_ = 	snop  }
0x6f: {  	[tilespmem:s14], [sflag:$0x1] =	stream.indirect_vreg.gather [hbm4b:s1+s3], $0x80, v3, vm0, $0xb8;
	[tilespmem:$0x10100] =	vst v63  }
0x70: {  	v3 =	vld [tilespmem:$0x80];
	_ =	sdelay $0x4  }
0x71: {  	v56 =	vshll.u32 v3, $0x1  }
0x72: {  	v3 =	vand.u32 $0x7, v3;
	v4 =	vand.u32 $0xFFFFFFF0, v56  }
0x73: {  	v3 =	vor.u32 v3, v4  }
0x74: {  	v4 =	vperm.xlane v3, v0;
	_ =	sdelay $0x1  }
0x75: {  	v3 =	vperm.xlane v3, v2;
	v4 =	vadd.s32 v1, v4;
	_ =	sdelay $0x1  }
0x76: {  	v3 =	vadd.s32 v1, v3;
	_ =	sdelay $0x2  }
0x77: {  	[tilespmem:s15], [sflag:$0x1] =	stream.indirect_vreg.gather [hbm4b:s1+s3], $0x80, v4, vm0, $0xb8;
	[tilespmem:$0x10100] =	vst v63  }
0x78: {  	_ = 	snop  }
0x79: {  	[tilespmem:s16], [sflag:$0x1] =	stream.indirect_vreg.gather [hbm4b:s1+s3], $0x80, v3, vm0, $0xb8;
	[tilespmem:$0x10100] =	vst v63  }
0x7a: {  	v3 =	vld [tilespmem:$0x90];
	_ =	sdelay $0x4  }
0x7b: {  	v57 =	vshll.u32 v3, $0x1  }
0x7c: {  	v3 =	vand.u32 $0x7, v3;
	v4 =	vand.u32 $0xFFFFFFF0, v57  }
0x7d: {  	v3 =	vor.u32 v3, v4  }
0x7e: {  	v4 =	vperm.xlane v3, v0;
	_ =	sdelay $0x1  }
0x7f: {  	v3 =	vperm.xlane v3, v2;
	v4 =	vadd.s32 v1, v4;
	_ =	sdelay $0x1  }
0x80: {  	v3 =	vadd.s32 v1, v3;
	_ =	sdelay $0x2  }
0x81: {  	[tilespmem:s17], [sflag:$0x1] =	stream.indirect_vreg.gather [hbm4b:s1+s3], $0x80, v4, vm0, $0xb8;
	[tilespmem:$0x10100] =	vst v63  }
0x82: {  	_ = 	snop  }
0x83: {  	[tilespmem:s18], [sflag:$0x1] =	stream.indirect_vreg.gather [hbm4b:s1+s3], $0x80, v3, vm0, $0xb8;
	[tilespmem:$0x10100] =	vst v63  }
0x84: {  	v3 =	vld [tilespmem:$0xA0];
	_ =	sdelay $0x4  }
0x85: {  	v58 =	vshll.u32 v3, $0x1  }
0x86: {  	v3 =	vand.u32 $0x7, v3;
	v4 =	vand.u32 $0xFFFFFFF0, v58  }
0x87: {  	v3 =	vor.u32 v3, v4  }
0x88: {  	v4 =	vperm.xlane v3, v0;
	_ =	sdelay $0x1  }
0x89: {  	v3 =	vperm.xlane v3, v2;
	v4 =	vadd.s32 v1, v4;
	_ =	sdelay $0x1  }
0x8a: {  	v3 =	vadd.s32 v1, v3;
	_ =	sdelay $0x2  }
0x8b: {  	[tilespmem:s19], [sflag:$0x1] =	stream.indirect_vreg.gather [hbm4b:s1+s3], $0x80, v4, vm0, $0xb8;
	[tilespmem:$0x10100] =	vst v63  }
0x8c: {  	_ = 	snop  }
0x8d: {  	[tilespmem:s20], [sflag:$0x1] =	stream.indirect_vreg.gather [hbm4b:s1+s3], $0x80, v3, vm0, $0xb8;
	[tilespmem:$0x10100] =	vst v63  }
0x8e: {  	v3 =	vld [tilespmem:$0xB0];
	_ =	sdelay $0x4  }
0x8f: {  	v59 =	vshll.u32 v3, $0x1  }
0x90: {  	v3 =	vand.u32 $0x7, v3;
	v4 =	vand.u32 $0xFFFFFFF0, v59  }
0x91: {  	v3 =	vor.u32 v3, v4  }
0x92: {  	v4 =	vperm.xlane v3, v0;
	_ =	sdelay $0x1  }
0x93: {  	v3 =	vperm.xlane v3, v2;
	v4 =	vadd.s32 v1, v4;
	_ =	sdelay $0x1  }
0x94: {  	v3 =	vadd.s32 v1, v3;
	_ =	sdelay $0x2  }
0x95: {  	[tilespmem:s21], [sflag:$0x1] =	stream.indirect_vreg.gather [hbm4b:s1+s3], $0x80, v4, vm0, $0xb8;
	[tilespmem:$0x10100] =	vst v63  }
0x96: {  	_ = 	snop  }
0x97: {  	[tilespmem:s22], [sflag:$0x1] =	stream.indirect_vreg.gather [hbm4b:s1+s3], $0x80, v3, vm0, $0xb8;
	[tilespmem:$0x10100] =	vst v63  }
0x98: {  	v3 =	vld [tilespmem:$0xC0];
	_ =	sdelay $0x4  }
0x99: {  	v60 =	vshll.u32 v3, $0x1  }
0x9a: {  	v3 =	vand.u32 $0x7, v3;
	v4 =	vand.u32 $0xFFFFFFF0, v60  }
0x9b: {  	v3 =	vor.u32 v3, v4  }
0x9c: {  	v4 =	vperm.xlane v3, v0;
	_ =	sdelay $0x1  }
0x9d: {  	v3 =	vperm.xlane v3, v2;
	v4 =	vadd.s32 v1, v4;
	_ =	sdelay $0x1  }
0x9e: {  	v3 =	vadd.s32 v1, v3;
	_ =	sdelay $0x2  }
0x9f: {  	[tilespmem:s23], [sflag:$0x1] =	stream.indirect_vreg.gather [hbm4b:s1+s3], $0x80, v4, vm0, $0xb8;
	[tilespmem:$0x10100] =	vst v63  }
0xa0: {  	_ = 	snop  }
0xa1: {  	[tilespmem:s24], [sflag:$0x1] =	stream.indirect_vreg.gather [hbm4b:s1+s3], $0x80, v3, vm0, $0xb8;
	[tilespmem:$0x10100] =	vst v63  }
0xa2: {  	v3 =	vld [tilespmem:$0xD0];
	_ =	sdelay $0x4  }
0xa3: {  	v61 =	vshll.u32 v3, $0x1  }
0xa4: {  	v3 =	vand.u32 $0x7, v3;
	v4 =	vand.u32 $0xFFFFFFF0, v61  }
0xa5: {  	v3 =	vor.u32 v3, v4  }
0xa6: {  	v4 =	vperm.xlane v3, v0;
	_ =	sdelay $0x1  }
0xa7: {  	v3 =	vperm.xlane v3, v2;
	v4 =	vadd.s32 v1, v4;
	_ =	sdelay $0x1  }
0xa8: {  	v3 =	vadd.s32 v1, v3;
	_ =	sdelay $0x2  }
0xa9: {  	[tilespmem:s25], [sflag:$0x1] =	stream.indirect_vreg.gather [hbm4b:s1+s3], $0x80, v4, vm0, $0xb8;
	[tilespmem:$0x10100] =	vst v63  }
0xaa: {  	_ = 	snop  }
0xab: {  	[tilespmem:s26], [sflag:$0x1] =	stream.indirect_vreg.gather [hbm4b:s1+s3], $0x80, v3, vm0, $0xb8;
	[tilespmem:$0x10100] =	vst v63  }
0xac: {  	v3 =	vld [tilespmem:$0xE0];
	_ =	sdelay $0x4  }
0xad: {  	v62 =	vshll.u32 v3, $0x1  }
0xae: {  	v3 =	vand.u32 $0x7, v3;
	v4 =	vand.u32 $0xFFFFFFF0, v62  }
0xaf: {  	v3 =	vor.u32 v3, v4  }
0xb0: {  	v4 =	vperm.xlane v3, v0;
	_ =	sdelay $0x1  }
0xb1: {  	v3 =	vperm.xlane v3, v2;
	v4 =	vadd.s32 v1, v4;
	_ =	sdelay $0x1  }
0xb2: {  	v3 =	vadd.s32 v1, v3;
	_ =	sdelay $0x2  }
0xb3: {  	[tilespmem:s28], [sflag:$0x1] =	stream.indirect_vreg.gather [hbm4b:s1+s3], $0x80, v4, vm0, $0xb8;
	[tilespmem:$0x10100] =	vst v63  }
0xb4: {  	_ = 	snop  }
0xb5: {  	[tilespmem:s29], [sflag:$0x1] =	stream.indirect_vreg.gather [hbm4b:s1+s3], $0x80, v3, vm0, $0xb8;
	[tilespmem:$0x10100] =	vst v63  }
0xb6: {  	v3 =	vld [tilespmem:$0xF0];
	_ =	sdelay $0x4  }
0xb7: {  	v63 =	vshll.u32 v3, $0x1  }
0xb8: {  	v3 =	vand.u32 $0x7, v3;
	v4 =	vand.u32 $0xFFFFFFF0, v63  }
0xb9: {  	v3 =	vor.u32 v3, v4  }
0xba: {  	v4 =	vperm.xlane v3, v0;
	_ =	sdelay $0x1  }
0xbb: {  	v3 =	vperm.xlane v3, v2;
	v4 =	vadd.s32 v1, v4;
	_ =	sdelay $0x1  }
0xbc: {  	v3 =	vadd.s32 v1, v3;
	_ =	sdelay $0x2  }
0xbd: {  	[tilespmem:s30], [sflag:$0x1] =	stream.indirect_vreg.gather [hbm4b:s1+s3], $0x80, v4, vm0, $0xb8;
	[tilespmem:$0x10100] =	vst v63  }
0xbe: {  	_ = 	snop  }
0xbf: {  	[tilespmem:s31], [sflag:$0x1] =	stream.indirect_vreg.gather [hbm4b:s1+s3], $0x80, v3, vm0, $0xb8;
	[tilespmem:$0x10100] =	vst v63  }
0xc0: {  	_ =	swait.ge [sflag:s2], $0x8000  }
0xc1: {  	[sflag:s2] =	ssyncset.done $0x0  }
0xc2: {  	[sflag:s2] =	ssyncadd.s32 $0xFFFF8000  }
0xc3: {  	_ =	swait.ge [sflag:s2], $0x8000  }
0xc4: {  	p0 =	sne.s32 s4, $0x1;
	[sflag:s2] =	ssyncset.done $0x0  }
.Ltmp0:
0xc5: {  	s7 =	rddreg [dreg:$0x5];
	[sflag:s2] =	ssyncadd.s32 $0xFFFF8000;
	(pc) =	sbr.rel @p0 .LBB2_1-.Ltmp0, $4  }
0xc6: {  	[hbm4b:s7+s3] =	stream.linear.scatter [tilespmem:s6], [sflag:$0x2], $0x10000, $0x38;
	[tilespmem:$0x10100] =	vst v63  }
0xc7: {  	_ =	swait.ge [sflag:s5], $0x10000  }
0xc8: {  	[sflag:s5] =	ssyncset.done $0x0  }
0xc9: {  	s4 =	sadd.s32 $0xFFFFFFFF, s4;
	[sflag:s5] =	ssyncadd.s32 $0xFFFF0000  }
0xca: {  	_ =	sfence.sel $0x180000  }
0xcb: {  	[bflag:$0x0] =	sbarrier.arrive $0xFFFF  }
0xcc: {  	_ =	strace $0x90000047  }
0xcd: {  	s0 =	stileid.u32;
	[bflag:$0x2] =	sbarrier.arrive $0xFFFF  }
0xce: {  	p0 =	sne.s32 s0, $0x0;
	s0 =	rddreg [dreg:$0x3]  }
0xcf: {  	s0 =	sadd.s32 @!p0 $0x100000, s0  }
0xd0: {  	[sflag:s0] =	ssyncadd.tile.s32 @!p0 $0x1;
	_ =	shalt  }
.Lfunc_end2:
_tile_overlayer_lowered:
.L_overlay_start_2:
0xd1: {  	(tag) =	ssettag $0x2  }
0xd2: {  	s0 =	rddreg [dreg:$0x0];
	s2 =	stileid.u32  }
0xd3: {  	s1 =	rddreg [dreg:$0x1];
	p0 =	sne.s32 s2, $0x0  }
0xd4: {  	s3 =	rddreg [dreg:$0x2];
	[bflag:$0x3] =	sbarrier.arrive $0xFFFF;
	s2 =	simm.s32 @!p0 $0x1C02  }
0xd5: {  	[timem:s3], [sflag:s2] =	dma.local @!p0 [hbm:s0], s1  }
0xd6: {  	s0 =	simm.s32 @!p0 $0x2  }
0xd7: {  	_ =	swait.ge @!p0 [sflag:s0], s1  }
0xd8: {  	s1 =	ssub.s32 @!p0 $0x0, s1;
	[sflag:s0] =	ssyncset.done @!p0 $0x0  }
0xd9: {  	[sflag:s0] =	ssyncadd.s32 @!p0 s1  }
0xda: {  	[bflag:$0x3] =	sbarrier.arrive $0xFFFF  }
0xdb: {  	_ =	shalt  }

</sc_bundles>
